<compile_context>
chip_gen: v7x
topology: tpu7x:2x2x1
jax: 0.10.2.dev20260603
libtpu: 0.0.44.dev20260713+nightly
codegen_flags: <defaults>
</compile_context>

<pallas_src>
import functools

import jax
import jax.numpy as jnp
from jax import lax
from jax.experimental import pallas as pl
from jax.experimental.pallas import tpu as pltpu
from jax.experimental.pallas import tpu_sc as plsc

_B, _V, _M, _R = 1024, 16, 8, 4096
_TINY = 1e-30

_info = plsc.get_sparse_core_info()
_NC, _NS, _L = _info.num_cores, _info.num_subcores, _info.num_lanes
_NW = _NC * _NS
_BPW = _B // _NW
_RC = 256

_R_SC = _R
_RBLK_TC = 256



def _sc_fire(mu_hbm, aT_hbm, out_hbm, mu_v, a_v, stage_v):
    n_rules = aT_hbm.shape[1]
    wid = lax.axis_index("s") * _NC + lax.axis_index("c")
    b0 = wid * _BPW
    pltpu.sync_copy(mu_hbm.at[pl.ds(b0 * _V * _M, _BPW * _V * _M)], mu_v)
    pltpu.sync_copy(aT_hbm, a_v)

    def rc_body(rc, _):
        c0 = rc * _RC

        def rb_body(rb, _):
            col = c0 + rb * _L
            idx = [a_v[v, pl.ds(col, _L)] + (v * _M) for v in range(_V)]

            def b_body(b, _):
                boff = b * (_V * _M)
                acc = plsc.load_gather(mu_v, [idx[0] + boff])
                for v in range(1, _V):
                    acc = acc * plsc.load_gather(mu_v, [idx[v] + boff])
                stage_v[b, pl.ds(rb * _L, _L)] = acc
                return 0

            lax.fori_loop(0, _BPW, b_body, 0)
            return 0

        lax.fori_loop(0, _RC // _L, rb_body, 0)
        pltpu.sync_copy(stage_v, out_hbm.at[pl.ds(b0, _BPW), pl.ds(c0, _RC)])
        return 0

    lax.fori_loop(0, n_rules // _RC, rc_body, 0)


def _sc_call(mu2d, aT):
    n_rules = aT.shape[1]
    f = functools.partial(
        pl.kernel,
        mesh=plsc.VectorSubcoreMesh(core_axis_name="c", subcore_axis_name="s"),
        out_type=jax.ShapeDtypeStruct((_B, n_rules), jnp.float32),
        compiler_params=pltpu.CompilerParams(needs_layout_passes=False),
        scratch_types=[
            pltpu.VMEM((_BPW * _V * _M,), jnp.float32),
            pltpu.VMEM((_V, n_rules), jnp.int32),
            pltpu.VMEM((_BPW, _RC), jnp.float32),
        ],
    )(_sc_fire)
    return f(jnp.reshape(mu2d, (_B * _V * _M,)), aT)



def _tc_fire_block(muT_ref, aT_ref, out_ref):
    lmu = jnp.log(jnp.maximum(muT_ref[...], _TINY))
    aT = aT_ref[...]
    a_tiled = jnp.concatenate([aT] * _M, axis=0)
    m_of_row = lax.broadcasted_iota(jnp.int32, (_M * _V, _RBLK_TC), 0) // _V
    oh = (a_tiled == m_of_row).astype(jnp.float32)
    acc = lax.dot_general(
        lmu, oh, (((1,), (0,)), ((), ())),
        precision=lax.Precision.HIGHEST,
        preferred_element_type=jnp.float32,
    )
    out_ref[...] = jnp.exp(acc)


def _tc_call(mu, aT):
    n_rules = aT.shape[1]
    muT = jnp.swapaxes(mu, 1, 2).reshape(_B, _M * _V)
    return pl.pallas_call(
        _tc_fire_block,
        grid=(n_rules // _RBLK_TC,),
        in_specs=[
            pl.BlockSpec((_B, _M * _V), lambda j: (0, 0)),
            pl.BlockSpec((_V, _RBLK_TC), lambda j: (0, j)),
        ],
        out_specs=pl.BlockSpec((_B, _RBLK_TC), lambda j: (0, j)),
        out_shape=jax.ShapeDtypeStruct((_B, n_rules), jnp.float32),
    )(muT, aT)



def kernel(mu, antecedents):
    batch_shape = mu.shape[:-2]
    mu = jnp.reshape(mu, (-1, _V, _M))
    aT = antecedents.T
    mu2d = jnp.reshape(mu, (_B, _V * _M))
    parts = []
    if _R_SC > 0:
        parts.append(_sc_call(mu2d, aT[:, :_R_SC]))
    if _R_SC < _R:
        parts.append(_tc_call(mu, aT[:, _R_SC:]))
    out = parts[0] if len(parts) == 1 else jnp.concatenate(parts, axis=1)
    return jnp.reshape(out, (*batch_shape, _R))

# --- scband reference (transcript-rebuilt; emitter-appended) ---
"""Pipeline reference for scband-rule-base-38689065402895 (READ-ONLY COPY).

The authoritative reference and input builder live on the scoring server;
editing this copy changes nothing except your own understanding.
"""

import jax, jax.numpy as jnp
import numpy as np

B, V, M, R = 1024, 16, 8, 4096

def setup_inputs(seed: int = 0) -> dict:
    key = jax.random.key(seed)
    k1, k2 = jax.random.split(key)
    mu = jax.random.uniform(k1, (B, V, M), dtype=jnp.float32)
    antecedents = jax.random.randint(k2, (R, V), 0, M, dtype=jnp.int32)
    return {"mu": mu, "antecedents": antecedents}

def reference(mu, antecedents):
    # Faithful translation of RuleBase.fire with tnorm='prod'.
    # mu: [..., n_vars, max_mfs]; here batch_shape = (B,)
    batch_shape = mu.shape[:-2]
    Vv, Mm = mu.shape[-2], mu.shape[-1]
    mu_batched = jnp.reshape(mu, (-1, Vv, Mm))
    ants = antecedents
    idx = jnp.maximum(ants, 0)
    # gather: [Bflat, 1, V, M] indexed by [1, R, V, 1] -> [Bflat, R, V, 1] -> squeeze -> [Bflat, R, V]
    gathered = jnp.take_along_axis(mu_batched[:, None, :, :], idx[None, :, :, None], axis=-1).squeeze(-1)
    one = jnp.array(1.0, dtype=mu_batched.dtype)
    gathered = jnp.where(ants[None, :, :] == -1, one, gathered)
    # tnorm == 'prod'
    w = jnp.prod(gathered, axis=-1)
    return jnp.reshape(w, (*batch_shape, ants.shape[0]))

if __name__ == "__main__":
    import jax
    _d = setup_inputs()
    print(jax.jit(kernel)(*tuple(_d.values())))

</pallas_src>

<mosaic_0001>
#map = affine_map<(d0, d1) -> (0)>
#map1 = affine_map<(d0, d1) -> (0, 0)>
module attributes {stable_mosaic.version = 14 : i64} {
  func.func @_sc_fire(%arg0: i32, %arg1: i32, %arg2: memref<131072xf32, #tpu.memory_space<hbm>>, %arg3: memref<16x4096xi32, #tpu.memory_space<hbm>>, %arg4: memref<1024x4096xf32, #tpu.memory_space<hbm>>, %arg5: memref<4096xf32, #tpu.memory_space<vmem>>, %arg6: memref<16x4096xi32, #tpu.memory_space<vmem>>, %arg7: memref<32x256xf32, #tpu.memory_space<vmem>>) attributes {dimension_semantics = [#tpu.dimension_semantics<core_parallel>, #tpu.dimension_semantics<subcore_parallel>], iteration_bounds = array<i64: 2, 16>, scalar_prefetch = 0 : i64, scratch_operands = 3 : i64, tpu.core_type = #tpu.core_type<sc_vector_subcore>, window_params = [{transform_indices = #map}, {transform_indices = #map1}, {transform_indices = #map1}]} {
    %mul3A = arith.constant 2 : i32
    %mul3A_0 = arith.muli %arg1, %mul3A : i32
    %add3A = arith.addi %mul3A_0, %arg0 : i32
    %mul3A_1 = arith.constant 32 : i32
    %mul3A_2 = arith.muli %add3A, %mul3A_1 : i32
    %mul3A_3 = arith.constant 16 : i32
    %mul3A_4 = arith.muli %mul3A_2, %mul3A_3 : i32
    %mul3A_5 = arith.constant 8 : i32
    %mul3A_6 = arith.muli %mul3A_4, %mul3A_5 : i32
    "tpu.region"() ({
      %run_scoped3A = tpu.sem_alloc : memref<!tpu.dma_semaphore, #tpu.memory_space<semaphore_mem>>
      %dma_start3A = tpu.memref_slice %arg2[%mul3A_6] : memref<131072xf32, #tpu.memory_space<hbm>> -> memref<4096xf32, #tpu.memory_space<hbm>>
      %dma_start3A_13 = tpu.memref_slice %arg2[%mul3A_6] : memref<131072xf32, #tpu.memory_space<hbm>> -> memref<4096xf32, #tpu.memory_space<hbm>>
      tpu.enqueue_dma source(%dma_start3A_13 : memref<4096xf32, #tpu.memory_space<hbm>>) target(%arg5 : memref<4096xf32, #tpu.memory_space<vmem>>) target_semaphore(%run_scoped3A : memref<!tpu.dma_semaphore, #tpu.memory_space<semaphore_mem>>)
      %dma_wait3A = tpu.memref_slice %arg2[%mul3A_6] : memref<131072xf32, #tpu.memory_space<hbm>> -> memref<4096xf32, #tpu.memory_space<hbm>>
      %dma_wait3A_14 = tpu.memref_slice %arg2[%mul3A_6] : memref<131072xf32, #tpu.memory_space<hbm>> -> memref<4096xf32, #tpu.memory_space<hbm>>
      tpu.wait_dma2 semaphore(%run_scoped3A : memref<!tpu.dma_semaphore, #tpu.memory_space<semaphore_mem>>) src(%dma_wait3A_14 : memref<4096xf32, #tpu.memory_space<hbm>>) dst(%arg5 : memref<4096xf32, #tpu.memory_space<vmem>>)
      tpu.yield
    }) : () -> ()
    "tpu.region"() ({
      %run_scoped3A = tpu.sem_alloc : memref<!tpu.dma_semaphore, #tpu.memory_space<semaphore_mem>>
      tpu.enqueue_dma source(%arg3 : memref<16x4096xi32, #tpu.memory_space<hbm>>) target(%arg6 : memref<16x4096xi32, #tpu.memory_space<vmem>>) target_semaphore(%run_scoped3A : memref<!tpu.dma_semaphore, #tpu.memory_space<semaphore_mem>>)
      tpu.wait_dma2 semaphore(%run_scoped3A : memref<!tpu.dma_semaphore, #tpu.memory_space<semaphore_mem>>) src(%arg3 : memref<16x4096xi32, #tpu.memory_space<hbm>>) dst(%arg6 : memref<16x4096xi32, #tpu.memory_space<vmem>>)
      tpu.yield
    }) : () -> ()
    %scan3A = arith.constant 0 : i32
    %scan3A_7 = arith.constant 0 : i32
    %scan3A_8 = arith.constant 16 : i32
    %scan3A_9 = arith.addi %scan3A_7, %scan3A_8 : i32
    %scan3A_10 = arith.constant 1 : i32
    %scan3A_11 = scf.for %scan3A_13 = %scan3A_7 to %scan3A_9 step %scan3A_10 iter_args(%scan3A_14 = %scan3A) -> (i32)  : i32 {
      %mul3A_15 = arith.constant 256 : i32
      %mul3A_16 = arith.muli %scan3A_13, %mul3A_15 : i32
      %scan3A_17 = arith.constant 0 : i32
      %scan3A_18 = arith.constant 0 : i32
      %scan3A_19 = arith.constant 16 : i32
      %scan3A_20 = arith.addi %scan3A_18, %scan3A_19 : i32
      %scan3A_21 = arith.constant 1 : i32
      %scan3A_22 = scf.for %scan3A_25 = %scan3A_18 to %scan3A_20 step %scan3A_21 iter_args(%scan3A_26 = %scan3A_17) -> (i32)  : i32 {
        %mul3A_27 = arith.constant 16 : i32
        %mul3A_28 = arith.muli %scan3A_25, %mul3A_27 : i32
        %add3A_29 = arith.addi %mul3A_16, %mul3A_28 : i32
        %get3A = arith.constant 0 : i32
        %get3A_30 = arith.index_cast %get3A : i32 to index
        %get3A_31 = arith.index_cast %add3A_29 : i32 to index
        %get3A_32 = tpu.vector_load %arg6[%get3A_30, %get3A_31] {strides = array<i32>} : memref<16x4096xi32, #tpu.memory_space<vmem>>, vector<16xi32>,
        %add3A_33 = arith.constant 0 : i32
        %add3A_34 = vector.broadcast %add3A_33 : i32 to vector<16xi32>
        %add3A_35 = arith.addi %get3A_32, %add3A_34 : vector<16xi32>
        %get3A_36 = arith.constant 1 : i32
        %get3A_37 = arith.index_cast %get3A_36 : i32 to index
        %get3A_38 = arith.index_cast %add3A_29 : i32 to index
        %get3A_39 = tpu.vector_load %arg6[%get3A_37, %get3A_38] {strides = array<i32>} : memref<16x4096xi32, #tpu.memory_space<vmem>>, vector<16xi32>,
        %add3A_40 = arith.constant 8 : i32
        %add3A_41 = vector.broadcast %add3A_40 : i32 to vector<16xi32>
        %add3A_42 = arith.addi %get3A_39, %add3A_41 : vector<16xi32>
        %get3A_43 = arith.constant 2 : i32
        %get3A_44 = arith.index_cast %get3A_43 : i32 to index
        %get3A_45 = arith.index_cast %add3A_29 : i32 to index
        %get3A_46 = tpu.vector_load %arg6[%get3A_44, %get3A_45] {strides = array<i32>} : memref<16x4096xi32, #tpu.memory_space<vmem>>, vector<16xi32>,
        %add3A_47 = arith.constant 16 : i32
        %add3A_48 = vector.broadcast %add3A_47 : i32 to vector<16xi32>
        %add3A_49 = arith.addi %get3A_46, %add3A_48 : vector<16xi32>
        %get3A_50 = arith.constant 3 : i32
        %get3A_51 = arith.index_cast %get3A_50 : i32 to index
        %get3A_52 = arith.index_cast %add3A_29 : i32 to index
        %get3A_53 = tpu.vector_load %arg6[%get3A_51, %get3A_52] {strides = array<i32>} : memref<16x4096xi32, #tpu.memory_space<vmem>>, vector<16xi32>,
        %add3A_54 = arith.constant 24 : i32
        %add3A_55 = vector.broadcast %add3A_54 : i32 to vector<16xi32>
        %add3A_56 = arith.addi %get3A_53, %add3A_55 : vector<16xi32>
        %get3A_57 = arith.constant 4 : i32
        %get3A_58 = arith.index_cast %get3A_57 : i32 to index
        %get3A_59 = arith.index_cast %add3A_29 : i32 to index
        %get3A_60 = tpu.vector_load %arg6[%get3A_58, %get3A_59] {strides = array<i32>} : memref<16x4096xi32, #tpu.memory_space<vmem>>, vector<16xi32>,
        %add3A_61 = arith.constant 32 : i32
        %add3A_62 = vector.broadcast %add3A_61 : i32 to vector<16xi32>
        %add3A_63 = arith.addi %get3A_60, %add3A_62 : vector<16xi32>
        %get3A_64 = arith.constant 5 : i32
        %get3A_65 = arith.index_cast %get3A_64 : i32 to index
        %get3A_66 = arith.index_cast %add3A_29 : i32 to index
        %get3A_67 = tpu.vector_load %arg6[%get3A_65, %get3A_66] {strides = array<i32>} : memref<16x4096xi32, #tpu.memory_space<vmem>>, vector<16xi32>,
        %add3A_68 = arith.constant 40 : i32
        %add3A_69 = vector.broadcast %add3A_68 : i32 to vector<16xi32>
        %add3A_70 = arith.addi %get3A_67, %add3A_69 : vector<16xi32>
        %get3A_71 = arith.constant 6 : i32
        %get3A_72 = arith.index_cast %get3A_71 : i32 to index
        %get3A_73 = arith.index_cast %add3A_29 : i32 to index
        %get3A_74 = tpu.vector_load %arg6[%get3A_72, %get3A_73] {strides = array<i32>} : memref<16x4096xi32, #tpu.memory_space<vmem>>, vector<16xi32>,
        %add3A_75 = arith.constant 48 : i32
        %add3A_76 = vector.broadcast %add3A_75 : i32 to vector<16xi32>
        %add3A_77 = arith.addi %get3A_74, %add3A_76 : vector<16xi32>
        %get3A_78 = arith.constant 7 : i32
        %get3A_79 = arith.index_cast %get3A_78 : i32 to index
        %get3A_80 = arith.index_cast %add3A_29 : i32 to index
        %get3A_81 = tpu.vector_load %arg6[%get3A_79, %get3A_80] {strides = array<i32>} : memref<16x4096xi32, #tpu.memory_space<vmem>>, vector<16xi32>,
        %add3A_82 = arith.constant 56 : i32
        %add3A_83 = vector.broadcast %add3A_82 : i32 to vector<16xi32>
        %add3A_84 = arith.addi %get3A_81, %add3A_83 : vector<16xi32>
        %get3A_85 = arith.constant 8 : i32
        %get3A_86 = arith.index_cast %get3A_85 : i32 to index
        %get3A_87 = arith.index_cast %add3A_29 : i32 to index
        %get3A_88 = tpu.vector_load %arg6[%get3A_86, %get3A_87] {strides = array<i32>} : memref<16x4096xi32, #tpu.memory_space<vmem>>, vector<16xi32>,
        %add3A_89 = arith.constant 64 : i32
        %add3A_90 = vector.broadcast %add3A_89 : i32 to vector<16xi32>
        %add3A_91 = arith.addi %get3A_88, %add3A_90 : vector<16xi32>
        %get3A_92 = arith.constant 9 : i32
        %get3A_93 = arith.index_cast %get3A_92 : i32 to index
        %get3A_94 = arith.index_cast %add3A_29 : i32 to index
        %get3A_95 = tpu.vector_load %arg6[%get3A_93, %get3A_94] {strides = array<i32>} : memref<16x4096xi32, #tpu.memory_space<vmem>>, vector<16xi32>,
        %add3A_96 = arith.constant 72 : i32
        %add3A_97 = vector.broadcast %add3A_96 : i32 to vector<16xi32>
        %add3A_98 = arith.addi %get3A_95, %add3A_97 : vector<16xi32>
        %get3A_99 = arith.constant 10 : i32
        %get3A_100 = arith.index_cast %get3A_99 : i32 to index
        %get3A_101 = arith.index_cast %add3A_29 : i32 to index
        %get3A_102 = tpu.vector_load %arg6[%get3A_100, %get3A_101] {strides = array<i32>} : memref<16x4096xi32, #tpu.memory_space<vmem>>, vector<16xi32>,
        %add3A_103 = arith.constant 80 : i32
        %add3A_104 = vector.broadcast %add3A_103 : i32 to vector<16xi32>
        %add3A_105 = arith.addi %get3A_102, %add3A_104 : vector<16xi32>
        %get3A_106 = arith.constant 11 : i32
        %get3A_107 = arith.index_cast %get3A_106 : i32 to index
        %get3A_108 = arith.index_cast %add3A_29 : i32 to index
        %get3A_109 = tpu.vector_load %arg6[%get3A_107, %get3A_108] {strides = array<i32>} : memref<16x4096xi32, #tpu.memory_space<vmem>>, vector<16xi32>,
        %add3A_110 = arith.constant 88 : i32
        %add3A_111 = vector.broadcast %add3A_110 : i32 to vector<16xi32>
        %add3A_112 = arith.addi %get3A_109, %add3A_111 : vector<16xi32>
        %get3A_113 = arith.constant 12 : i32
        %get3A_114 = arith.index_cast %get3A_113 : i32 to index
        %get3A_115 = arith.index_cast %add3A_29 : i32 to index
        %get3A_116 = tpu.vector_load %arg6[%get3A_114, %get3A_115] {strides = array<i32>} : memref<16x4096xi32, #tpu.memory_space<vmem>>, vector<16xi32>,
        %add3A_117 = arith.constant 96 : i32
        %add3A_118 = vector.broadcast %add3A_117 : i32 to vector<16xi32>
        %add3A_119 = arith.addi %get3A_116, %add3A_118 : vector<16xi32>
        %get3A_120 = arith.constant 13 : i32
        %get3A_121 = arith.index_cast %get3A_120 : i32 to index
        %get3A_122 = arith.index_cast %add3A_29 : i32 to index
        %get3A_123 = tpu.vector_load %arg6[%get3A_121, %get3A_122] {strides = array<i32>} : memref<16x4096xi32, #tpu.memory_space<vmem>>, vector<16xi32>,
        %add3A_124 = arith.constant 104 : i32
        %add3A_125 = vector.broadcast %add3A_124 : i32 to vector<16xi32>
        %add3A_126 = arith.addi %get3A_123, %add3A_125 : vector<16xi32>
        %get3A_127 = arith.constant 14 : i32
        %get3A_128 = arith.index_cast %get3A_127 : i32 to index
        %get3A_129 = arith.index_cast %add3A_29 : i32 to index
        %get3A_130 = tpu.vector_load %arg6[%get3A_128, %get3A_129] {strides = array<i32>} : memref<16x4096xi32, #tpu.memory_space<vmem>>, vector<16xi32>,
        %add3A_131 = arith.constant 112 : i32
        %add3A_132 = vector.broadcast %add3A_131 : i32 to vector<16xi32>
        %add3A_133 = arith.addi %get3A_130, %add3A_132 : vector<16xi32>
        %get3A_134 = arith.constant 15 : i32
        %get3A_135 = arith.index_cast %get3A_134 : i32 to index
        %get3A_136 = arith.index_cast %add3A_29 : i32 to index
        %get3A_137 = tpu.vector_load %arg6[%get3A_135, %get3A_136] {strides = array<i32>} : memref<16x4096xi32, #tpu.memory_space<vmem>>, vector<16xi32>,
        %add3A_138 = arith.constant 120 : i32
        %add3A_139 = vector.broadcast %add3A_138 : i32 to vector<16xi32>
        %add3A_140 = arith.addi %get3A_137, %add3A_139 : vector<16xi32>
        %scan3A_141 = arith.constant 0 : i32
        %scan3A_142 = arith.constant 0 : i32
        %scan3A_143 = arith.constant 32 : i32
        %scan3A_144 = arith.addi %scan3A_142, %scan3A_143 : i32
        %scan3A_145 = arith.constant 1 : i32
        %scan3A_146 = scf.for %scan3A_149 = %scan3A_142 to %scan3A_144 step %scan3A_145 iter_args(%scan3A_150 = %scan3A_141) -> (i32)  : i32 {
          %mul3A_151 = arith.constant 128 : i32
          %mul3A_152 = arith.muli %scan3A_149, %mul3A_151 : i32
          %add3A_153 = vector.broadcast %mul3A_152 : i32 to vector<16xi32>
          %add3A_154 = arith.addi %add3A_35, %add3A_153 : vector<16xi32>
          %gather3A = tpu.vector_load_idx %arg5[%add3A_154] : memref<4096xf32, #tpu.memory_space<vmem>>[vector<16xi32>], vector<16xf32>,
          %add3A_155 = vector.broadcast %mul3A_152 : i32 to vector<16xi32>
          %add3A_156 = arith.addi %add3A_42, %add3A_155 : vector<16xi32>
          %gather3A_157 = tpu.vector_load_idx %arg5[%add3A_156] : memref<4096xf32, #tpu.memory_space<vmem>>[vector<16xi32>], vector<16xf32>,
          %mul3A_158 = arith.mulf %gather3A, %gather3A_157 : vector<16xf32>
          %add3A_159 = vector.broadcast %mul3A_152 : i32 to vector<16xi32>
          %add3A_160 = arith.addi %add3A_49, %add3A_159 : vector<16xi32>
          %gather3A_161 = tpu.vector_load_idx %arg5[%add3A_160] : memref<4096xf32, #tpu.memory_space<vmem>>[vector<16xi32>], vector<16xf32>,
          %mul3A_162 = arith.mulf %mul3A_158, %gather3A_161 : vector<16xf32>
          %add3A_163 = vector.broadcast %mul3A_152 : i32 to vector<16xi32>
          %add3A_164 = arith.addi %add3A_56, %add3A_163 : vector<16xi32>
          %gather3A_165 = tpu.vector_load_idx %arg5[%add3A_164] : memref<4096xf32, #tpu.memory_space<vmem>>[vector<16xi32>], vector<16xf32>,
          %mul3A_166 = arith.mulf %mul3A_162, %gather3A_165 : vector<16xf32>
          %add3A_167 = vector.broadcast %mul3A_152 : i32 to vector<16xi32>
          %add3A_168 = arith.addi %add3A_63, %add3A_167 : vector<16xi32>
          %gather3A_169 = tpu.vector_load_idx %arg5[%add3A_168] : memref<4096xf32, #tpu.memory_space<vmem>>[vector<16xi32>], vector<16xf32>,
          %mul3A_170 = arith.mulf %mul3A_166, %gather3A_169 : vector<16xf32>
          %add3A_171 = vector.broadcast %mul3A_152 : i32 to vector<16xi32>
          %add3A_172 = arith.addi %add3A_70, %add3A_171 : vector<16xi32>
          %gather3A_173 = tpu.vector_load_idx %arg5[%add3A_172] : memref<4096xf32, #tpu.memory_space<vmem>>[vector<16xi32>], vector<16xf32>,
          %mul3A_174 = arith.mulf %mul3A_170, %gather3A_173 : vector<16xf32>
          %add3A_175 = vector.broadcast %mul3A_152 : i32 to vector<16xi32>
          %add3A_176 = arith.addi %add3A_77, %add3A_175 : vector<16xi32>
          %gather3A_177 = tpu.vector_load_idx %arg5[%add3A_176] : memref<4096xf32, #tpu.memory_space<vmem>>[vector<16xi32>], vector<16xf32>,
          %mul3A_178 = arith.mulf %mul3A_174, %gather3A_177 : vector<16xf32>
          %add3A_179 = vector.broadcast %mul3A_152 : i32 to vector<16xi32>
          %add3A_180 = arith.addi %add3A_84, %add3A_179 : vector<16xi32>
          %gather3A_181 = tpu.vector_load_idx %arg5[%add3A_180] : memref<4096xf32, #tpu.memory_space<vmem>>[vector<16xi32>], vector<16xf32>,
          %mul3A_182 = arith.mulf %mul3A_178, %gather3A_181 : vector<16xf32>
          %add3A_183 = vector.broadcast %mul3A_152 : i32 to vector<16xi32>
          %add3A_184 = arith.addi %add3A_91, %add3A_183 : vector<16xi32>
          %gather3A_185 = tpu.vector_load_idx %arg5[%add3A_184] : memref<4096xf32, #tpu.memory_space<vmem>>[vector<16xi32>], vector<16xf32>,
          %mul3A_186 = arith.mulf %mul3A_182, %gather3A_185 : vector<16xf32>
          %add3A_187 = vector.broadcast %mul3A_152 : i32 to vector<16xi32>
          %add3A_188 = arith.addi %add3A_98, %add3A_187 : vector<16xi32>
          %gather3A_189 = tpu.vector_load_idx %arg5[%add3A_188] : memref<4096xf32, #tpu.memory_space<vmem>>[vector<16xi32>], vector<16xf32>,
          %mul3A_190 = arith.mulf %mul3A_186, %gather3A_189 : vector<16xf32>
          %add3A_191 = vector.broadcast %mul3A_152 : i32 to vector<16xi32>
          %add3A_192 = arith.addi %add3A_105, %add3A_191 : vector<16xi32>
          %gather3A_193 = tpu.vector_load_idx %arg5[%add3A_192] : memref<4096xf32, #tpu.memory_space<vmem>>[vector<16xi32>], vector<16xf32>,
          %mul3A_194 = arith.mulf %mul3A_190, %gather3A_193 : vector<16xf32>
          %add3A_195 = vector.broadcast %mul3A_152 : i32 to vector<16xi32>
          %add3A_196 = arith.addi %add3A_112, %add3A_195 : vector<16xi32>
          %gather3A_197 = tpu.vector_load_idx %arg5[%add3A_196] : memref<4096xf32, #tpu.memory_space<vmem>>[vector<16xi32>], vector<16xf32>,
          %mul3A_198 = arith.mulf %mul3A_194, %gather3A_197 : vector<16xf32>
          %add3A_199 = vector.broadcast %mul3A_152 : i32 to vector<16xi32>
          %add3A_200 = arith.addi %add3A_119, %add3A_199 : vector<16xi32>
          %gather3A_201 = tpu.vector_load_idx %arg5[%add3A_200] : memref<4096xf32, #tpu.memory_space<vmem>>[vector<16xi32>], vector<16xf32>,
          %mul3A_202 = arith.mulf %mul3A_198, %gather3A_201 : vector<16xf32>
          %add3A_203 = vector.broadcast %mul3A_152 : i32 to vector<16xi32>
          %add3A_204 = arith.addi %add3A_126, %add3A_203 : vector<16xi32>
          %gather3A_205 = tpu.vector_load_idx %arg5[%add3A_204] : memref<4096xf32, #tpu.memory_space<vmem>>[vector<16xi32>], vector<16xf32>,
          %mul3A_206 = arith.mulf %mul3A_202, %gather3A_205 : vector<16xf32>
          %add3A_207 = vector.broadcast %mul3A_152 : i32 to vector<16xi32>
          %add3A_208 = arith.addi %add3A_133, %add3A_207 : vector<16xi32>
          %gather3A_209 = tpu.vector_load_idx %arg5[%add3A_208] : memref<4096xf32, #tpu.memory_space<vmem>>[vector<16xi32>], vector<16xf32>,
          %mul3A_210 = arith.mulf %mul3A_206, %gather3A_209 : vector<16xf32>
          %add3A_211 = vector.broadcast %mul3A_152 : i32 to vector<16xi32>
          %add3A_212 = arith.addi %add3A_140, %add3A_211 : vector<16xi32>
          %gather3A_213 = tpu.vector_load_idx %arg5[%add3A_212] : memref<4096xf32, #tpu.memory_space<vmem>>[vector<16xi32>], vector<16xf32>,
          %mul3A_214 = arith.mulf %mul3A_210, %gather3A_213 : vector<16xf32>
          %mul3A_215 = arith.constant 16 : i32
          %mul3A_216 = arith.muli %scan3A_25, %mul3A_215 : i32
          %swap3A = arith.index_cast %scan3A_149 : i32 to index
          %swap3A_217 = arith.index_cast %mul3A_216 : i32 to index
          %swap3A_218 = tpu.vector_load %arg7[%swap3A, %swap3A_217] {strides = array<i32>} : memref<32x256xf32, #tpu.memory_space<vmem>>, vector<16xf32>,
          tpu.vector_store %arg7[%swap3A, %swap3A_217], %mul3A_214 {strides = array<i32>} : memref<32x256xf32, #tpu.memory_space<vmem>>, vector<16xf32>,
          %scan3A_219 = arith.constant 0 : i32
          scf.yield %scan3A_219 : i32
        }
        %scan3A_147 = arith.constant 32 : i32
        %scan3A_148 = arith.constant 0 : i32
        scf.yield %scan3A_148 : i32
      }
      %scan3A_23 = arith.constant 16 : i32
      "tpu.region"() ({
        %run_scoped3A = tpu.sem_alloc : memref<!tpu.dma_semaphore, #tpu.memory_space<semaphore_mem>>
        %dma_start3A = tpu.memref_slice %arg4[%mul3A_2, %mul3A_16] : memref<1024x4096xf32, #tpu.memory_space<hbm>> -> memref<32x256xf32, #tpu.memory_space<hbm>>
        %dma_start3A_25 = tpu.memref_slice %arg4[%mul3A_2, %mul3A_16] : memref<1024x4096xf32, #tpu.memory_space<hbm>> -> memref<32x256xf32, #tpu.memory_space<hbm>>
        tpu.enqueue_dma source(%arg7 : memref<32x256xf32, #tpu.memory_space<vmem>>) target(%dma_start3A_25 : memref<32x256xf32, #tpu.memory_space<hbm>>) target_semaphore(%run_scoped3A : memref<!tpu.dma_semaphore, #tpu.memory_space<semaphore_mem>>)
        %dma_wait3A = tpu.memref_slice %arg4[%mul3A_2, %mul3A_16] : memref<1024x4096xf32, #tpu.memory_space<hbm>> -> memref<32x256xf32, #tpu.memory_space<hbm>>
        %dma_wait3A_26 = tpu.memref_slice %arg4[%mul3A_2, %mul3A_16] : memref<1024x4096xf32, #tpu.memory_space<hbm>> -> memref<32x256xf32, #tpu.memory_space<hbm>>
        tpu.wait_dma2 semaphore(%run_scoped3A : memref<!tpu.dma_semaphore, #tpu.memory_space<semaphore_mem>>) src(%arg7 : memref<32x256xf32, #tpu.memory_space<vmem>>) dst(%dma_wait3A_26 : memref<32x256xf32, #tpu.memory_space<hbm>>)
        tpu.yield
      }) : () -> ()
      %scan3A_24 = arith.constant 0 : i32
      scf.yield %scan3A_24 : i32
    }
    %scan3A_12 = arith.constant 16 : i32
    return
  }
}

</mosaic_0001>

<sc_bundles>
// kernel: kernel.3.cloned.1.call-start
scs
__scs_entry_jumppad:
0x0: {  	(pc) =	sbr.rel $0x88, $3  }
0x1: {  	(tag) =	ssettag $0x0;
	lr =	simm.s32 $0x1  }
0x2: {  	[smem:$0x3F9F] =	sst lr;
	_ =	strace $0xD0000000  }
0x3: {  	_ = 	snop  }
0x4: {  	_ = 	snop  }
0x5: {  	_ = 	snop  }
0x6: {  	_ = 	snop  }
0x7: {  	_ = 	snop  }
__scs_overlays_trampoline_lowered:
0x8: {  	[smem:$0x3FAE] =	sst s0  }
0x9: {  	[smem:$0x3FAF] =	sst s1  }
0xa: {  	[smem:$0x3FB0] =	sst s2  }
0xb: {  	[smem:$0x3FB1] =	sst s3  }
0xc: {  	[smem:$0x3FB2] =	sst s4  }
0xd: {  	[smem:$0x3FB3] =	sst s5  }
0xe: {  	[smem:$0x3FB4] =	sst s6  }
0xf: {  	[smem:$0x3FB5] =	sst s7  }
0x10: {  	[smem:$0x3FB6] =	sst s8  }
0x11: {  	[smem:$0x3FB7] =	sst s9;
	s0 =	simm.s32 @!p0 $0x0  }
0x12: {  	s1 =	sld [smem:$0x3F9D];
	s0 =	simm.s32 @p0 $0x1  }
0x13: {  	[smem:$0x3FB8] =	sst s0;
	s0 =	simm.s32 @!p1 $0x0  }
0x14: {  	s2 =	sld [smem:$0x3F9C];
	s0 =	simm.s32 @p1 $0x1  }
0x15: {  	[smem:$0x3FB9] =	sst s0;
	s0 =	simm.s32 @!p2 $0x0  }
0x16: {  	s3 =	sld [smem:$0x3FDB];
	s0 =	simm.s32 @p2 $0x1  }
0x17: {  	s4 =	simm.s32 $0x1BF5;
	[smem:$0x3FBB] =	sst s0  }
0x18: {  	s0 =	sld [smem:$0x3F9E];
	_ =	swait.ge [sflag:s4], $0x0  }
0x19: {  	s7 =	sld [smem:$0x3F9F]  }
0x1a: {  	s8 =	sadd.s32 $0xFFFFE003, lr  }
0x1b: {  	s9 =	sadd.s32 $0xFFFFFEF7, lr;
	s5 =	simm.s32 $0xFFFFFFFF;
	p2 =	slt.u32 s8, $0xFFFFF086  }
0x1c: {  	p1 =	slt.u32 s9, $0xF7A;
	s5 =	simm.s32 @!p2 $0x0  }
0x1d: {  	s5 =	simm.s32 @p1 $0x1;
	p0 =	seq.s32 s7, s2  }
0x1e: {  	s7 =	smul.u32 @!p0 $0xF7A, s2;
	p2 =	seq.s32 @!p0 s5, $0x0  }
0x1f: {  	s9 =	smul.u32 $0xF7A, s1;
	s8 =	simm.s32 @!p0 $0x1BF5;
	p2 =	por !p2, p0  }
0x20: {  	[sflag:s8] =	ssyncset.s32 @!p0 $0xFFFFF086;
	s6 =	sadd.s32 @!p0 s3, s7;
	s7 =	simm.s32 @!p0 $0x108  }
0x21: {  	s3 =	sadd.s32 s3, s9;
	s6 =	sadd.s32 @!p0 $0x88, s6;
	s7 =	simm.s32 @p2 $0x1082  }
0x22: {  	[simem:s7], [sflag:s8] =	dma.local @!p0 [hbm:s6], $0xF7A  }
0x23: {  	s9 =	sor.u32 $0xD0000000, s2;
	s6 =	simm.s32 $0x108;
	_ =	swait.ge @!p0 [sflag:s8], $0x0  }
0x24: {  	s3 =	sadd.s32 $0x88, s3;
	s6 =	simm.s32 @!p1 $0x1082;
	[sflag:s4] =	ssyncset.s32 $0xFFFFF086  }
0x25: {  	[simem:s6], [sflag:s4] =	dma.local [hbm:s3], $0xF7A  }
0x26: {  	[smem:$0x3F9F] =	sst s1;
	(tag) =	ssettag s2;
	_ =	strace s9  }
0x27: {  	s1 =	sld [smem:$0x3FAF]  }
0x28: {  	s2 =	sld [smem:$0x3FB0]  }
0x29: {  	s4 =	sld [smem:$0x3FB2]  }
0x2a: {  	p0 =	seq.s32 s5, $0x0;
	s5 =	sld [smem:$0x3FB3]  }
0x2b: {  	s6 =	sld [smem:$0x3FB4]  }
0x2c: {  	s7 =	sld [smem:$0x3FB5]  }
0x2d: {  	s3 =	simm.s32 $0x108;
	s8 =	sld [smem:$0x3FB6]  }
0x2e: {  	s3 =	simm.s32 @!p0 $0x1082;
	s9 =	sld [smem:$0x3FB7]  }
0x2f: {  	lr =	sadd.s32 s0, s3;
	s0 =	sld [smem:$0x3FAE]  }
0x30: {  	s3 =	sld [smem:$0x3FB1]  }
0x31: {  	[smem:$0x3FBA] =	sst s10  }
0x32: {  	s10 =	sld [smem:$0x3FB8];
	_ =	sdelay $0x3  }
0x33: {  	p0 =	seq.s32 s10, $0x1;
	s10 =	sld [smem:$0x3FBA];
	_ =	sdelay $0x3  }
0x34: {  	[smem:$0x3FBA] =	sst s10  }
0x35: {  	s10 =	sld [smem:$0x3FB9];
	_ =	sdelay $0x3  }
0x36: {  	p1 =	seq.s32 s10, $0x1;
	s10 =	sld [smem:$0x3FBA];
	_ =	sdelay $0x3  }
0x37: {  	[smem:$0x3FBA] =	sst s10  }
0x38: {  	s10 =	sld [smem:$0x3FBB]  }
0x39: {  	_ = 	snop;
	(pc) =	sbr.ind lr, $3  }
0x3a: {  	_ = 	snop  }
0x3b: {  	_ = 	snop  }
0x3c: {  	p2 =	seq.s32 s10, $0x1;
	s10 =	sld [smem:$0x3FBA]  }
0x3d: {  	_ =	shalt  }
0x3e: {  	_ =	shalt  }
0x3f: {  	_ =	shalt  }
0x40: {  	_ =	shalt  }
0x41: {  	_ =	shalt  }
0x42: {  	_ =	shalt  }
0x43: {  	_ =	shalt  }
0x44: {  	_ =	shalt  }
0x45: {  	_ =	shalt  }
0x46: {  	_ =	shalt  }
0x47: {  	_ =	shalt  }
0x48: {  	_ =	shalt  }
0x49: {  	_ =	shalt  }
0x4a: {  	_ =	shalt  }
0x4b: {  	_ =	shalt  }
0x4c: {  	_ =	shalt  }
0x4d: {  	_ =	shalt  }
0x4e: {  	_ =	shalt  }
0x4f: {  	_ =	shalt  }
0x50: {  	_ =	shalt  }
0x51: {  	_ =	shalt  }
0x52: {  	_ =	shalt  }
0x53: {  	_ =	shalt  }
0x54: {  	_ =	shalt  }
0x55: {  	_ =	shalt  }
0x56: {  	_ =	shalt  }
0x57: {  	_ =	shalt  }
0x58: {  	_ =	shalt  }
0x59: {  	_ =	shalt  }
0x5a: {  	_ =	shalt  }
0x5b: {  	_ =	shalt  }
0x5c: {  	_ =	shalt  }
0x5d: {  	_ =	shalt  }
0x5e: {  	_ =	shalt  }
0x5f: {  	_ =	shalt  }
0x60: {  	_ =	shalt  }
0x61: {  	_ =	shalt  }
0x62: {  	_ =	shalt  }
0x63: {  	_ =	shalt  }
0x64: {  	_ =	shalt  }
0x65: {  	_ =	shalt  }
0x66: {  	_ =	shalt  }
0x67: {  	_ =	shalt  }
0x68: {  	_ =	shalt  }
0x69: {  	_ =	shalt  }
0x6a: {  	_ =	shalt  }
0x6b: {  	_ =	shalt  }
0x6c: {  	_ =	shalt  }
0x6d: {  	_ =	shalt  }
0x6e: {  	_ =	shalt  }
0x6f: {  	_ =	shalt  }
0x70: {  	_ =	shalt  }
0x71: {  	_ =	shalt  }
0x72: {  	_ =	shalt  }
0x73: {  	_ =	shalt  }
0x74: {  	_ =	shalt  }
0x75: {  	_ =	shalt  }
0x76: {  	_ =	shalt  }
0x77: {  	_ =	shalt  }
0x78: {  	_ =	shalt  }
0x79: {  	_ =	shalt  }
0x7a: {  	_ =	shalt  }
0x7b: {  	_ =	shalt  }
0x7c: {  	_ =	shalt  }
0x7d: {  	_ =	shalt  }
0x7e: {  	_ =	shalt  }
0x7f: {  	_ =	shalt  }
0x80: {  	_ =	shalt  }
0x81: {  	_ =	shalt  }
0x82: {  	_ =	shalt  }
0x83: {  	_ =	shalt  }
0x84: {  	_ =	shalt  }
0x85: {  	_ =	shalt  }
0x86: {  	_ =	shalt  }
0x87: {  	_ =	shalt  }
.Lfunc_end0:
.L_simem_size_0:
called_computation_lowered:
.L_overlay_start_0:
0x88: {  	s2 =	sld [smem:$0x3FD9]  }
0x89: {  	s3 =	sld [smem:$0x3FFE];
	_ =	sdelay $0x1  }
0x8a: {  	s1 =	srdreg.scid  }
0x8b: {  	s0 =	sand.u32 $0x1, s1  }
0x8c: {  	s17 =	sshll.u32 s0, $0xA;
	s2 =	sadd.s32 s3, s2  }
0x8d: {  	s2 =	sadd.s32 s2, s17  }
0x8e: {  	[smem:$0x3FC6] =	sst s2  }
0x8f: {  	_ = 	snop  }
0x90: {  	s2 =	sld [smem:$0x3FC8]  }
0x91: {  	s18 =	sld [smem:$0x3FD0];
	(tm) =	ssettm $0x1  }
0x92: {  	s4 =	sld [smem:$0x3FFB];
	_ =	sdelay $0x3  }
0x93: {  	_ =	strace s4  }
0x94: {  	s4 =	sld [smem:$0x3FFC];
	_ =	sdelay $0x3  }
0x95: {  	_ =	strace s4  }
0x96: {  	s4 =	sld [smem:$0x3FFD];
	_ =	sdelay $0x3  }
0x97: {  	_ =	strace s4  }
0x98: {  	_ =	strace $0x8FFFFFFF  }
0x99: {  	s19 =	sld [smem:$0x3FDB];
	_ =	sdelay $0x1  }
0x9a: {  	s5 =	simm.s32 $_scs_section_size  }
0x9b: {  	s6 =	simm.s32 $_size__tile_overlayer_lowered;
	s7 =	simm.s32 $_tile_overlayer_lowered  }
0x9c: {  	s22 =	simm.s32 $0x1BFF;
	s21 =	sshll.u32 s7, $0x1;
	s4 =	sadd.s32 s5, s19  }
0x9d: {  	s8 =	simm.s32 $0x0;
	s20 =	sshll.u32 s6, $0x1;
	s6 =	sadd.s32 s21, s4  }
0x9e: {  	[timem:s8], [sflag:s22] =	dma.local [hbm:s6], s20  }
0x9f: {  	_ =	swait.ge [sflag:s22], s20  }
0xa0: {  	s5 =	ssub.s32 $0x0, s20;
	[sflag:s22] =	ssyncset.done $0x0  }
0xa1: {  	[sflag:s22] =	ssyncadd.s32 s5;
	_ =	sdelay $0x1  }
0xa2: {  	s23 =	simm.s32 $0x1B8B  }
0xa3: {  	_ =	swait.ge [sflag:s23], $0x1  }
0xa4: {  	[sflag:s23] =	ssyncset.done $0x0  }
0xa5: {  	s25 =	simm.s32 $0x1B8E;
	s24 =	sld [smem:$0x3FFE];
	[sflag:s23] =	ssyncadd.s32 $0xFFFFFFFF  }
0xa6: {  	s26 =	simm.s32 $execute0_lowered;
	[smem:$0x3FD2] =	sst s25  }
0xa7: {  	s6 =	sshll.u32 s26, $0x1;
	_ =	strace $0x80000046;
	[dreg:$0x1] =	wrdreg $0xFFFFFFFF  }
0xa8: {  	s28 =	simm.s32 $_size_execute0_lowered;
	s4 =	sadd.s32 s4, s6;
	[dreg:$0x0] =	wrdreg $0x0  }
0xa9: {  	s6 =	sshll.u32 s28, $0x1;
	[dreg:$0x2] =	wrdreg s4  }
0xaa: {  	[dreg:$0x3] =	wrdreg s6  }
0xab: {  	[dreg:$0x4] =	wrdreg $0xC0  }
0xac: {  	_ =	task [dreg:s8], $0x5FFFF  }
0xad: {  	[dreg:$0x1] =	wrdreg $0xFFFFFFFF  }
0xae: {  	[dreg:$0x0] =	wrdreg $0x60  }
0xaf: {  	[dreg:$0x2] =	wrdreg s24  }
0xb0: {  	[dreg:$0x3] =	wrdreg s2  }
0xb1: {  	[dreg:$0x4] =	wrdreg s18  }
0xb2: {  	[dreg:$0x5] =	wrdreg $0x9  }
0xb3: {  	_ =	task.clear_ibuf [dreg:s8], $0x6FFFF;
	_ =	strace $0x90000046  }
0xb4: {  	s29 =	simm.s32 $0x9;
	_ =	strace $0x80000048  }
0xb5: {  	_ =	swait.ge [sflag:s29], $0x1  }
0xb6: {  	[sflag:s29] =	ssyncadd.s32 $0xFFFFFFFF  }
0xb7: {  	_ =	strace $0x90000048  }
0xb8: {  	_ =	sfence  }
0xb9: {  	s30 =	sld [smem:$0x0];
	_ =	sdelay $0x2  }
0xba: {  	s31 =	sshll.u32 s1, $0xD;
	s1 =	sshrl.u32 s1, $0x2  }
0xbb: {  	s3 =	sand.u32 $0x4000, s31;
	s1 =	sadd.s32 s1, s30  }
0xbc: {  	s0 =	sor.u32 s3, s0;
	s1 =	sshll.u32 s1, $0x11  }
0xbd: {  	s0 =	sor.u32 s1, s0  }
0xbe: {  	s0 =	sadd.s32 $0x8F2B, s0  }
0xbf: {  	[sflag:s0] =	ssyncadd.remote.s32 $0x1  }
0xc0: {  	_ =	sfence.sel $0xFFFF  }
0xc1: {  	[dreg:$0x0] =	wrdreg $0xFFFFFFFF;
	(pc) =	sbr.abs _section_cstart, $3  }
0xc2: {  	[dreg:$0x1] =	wrdreg $0xFFFFFFFF  }
0xc3: {  	_ =	task.clear_ibuf [dreg:s8], $0x2FFFF;
	_ =	strace $0x9FFFFFFF  }
0xc4: {  	(tm) =	ssettm $0x7FFFFFFF  }
0xc5: {  	_ =	shalt  }
tec
execute0_lowered:
.L_overlay_start_1:
0x0: {  	(tag) =	ssettag $0x1  }
0x1: {  	s4 =	rddreg [dreg:$0x0]  }
0x2: {  	s2 =	rddreg [dreg:$0x1]  }
0x3: {  	s5 =	rddreg [dreg:$0x2]  }
0x4: {  	s0 =	rddreg [dreg:$0x3]  }
0x5: {  	s6 =	srdreg.scid;
	s1 =	stileid.u32;
	s3 =	simm.s32 $0x0  }
0x6: {  	s10 =	simm.s32 $0x8000;
	s11 =	simm.s32 $0x11000;
	s12 =	simm.s32 $0x0  }
0x7: {  	s15 =	simm.s32 $0x0;
	s6 =	sand.u32 $0x1, s6;
	s7 =	sshll.u32 s1, $0x1  }
0x8: {  	[smem:$0x7FF] =	sst s3;
	s7 =	sor.u32 s6, s7;
	s6 =	ssub.s32 $0x2, s6  }
0x9: {  	_ =	strace $0x80000047;
	s8 =	sshll.u32 s7, $0x9;
	s9 =	sshrl.u32 s6, $0x1  }
0xa: {  	s7 =	sshll.u32 s7, $0xE;
	s4 =	sadd.s32 s8, s4;
	s6 =	ssub.s32 s6, s9  }
0xb: {  	s5 =	sadd.s32 s5, s7;
	s7 =	simm.s32 $0x1;
	s8 =	simm.s32 $0x1000  }
0xc: {  	s9 =	simm.s32 $0x800;
	s4 =	sadd.s32 $0x400, s4;
	s6 =	smax.u32 s6, $0x1  }
.LBB2_1:
0xd: {  	[tilespmem:s3], [sflag:$0x1] =	stream.linear.gather [hbm4b:s4+s3], $0x1000, $0x38;
	[tilespmem:$0x13000] =	vst v63  }
0xe: {  	_ =	swait.ge [sflag:s7], $0x1000  }
0xf: {  	[sflag:s7] =	ssyncset.done $0x0  }
0x10: {  	[sflag:s7] =	ssyncadd.s32 $0xFFFFF000  }
0x11: {  	[tilespmem:s8], [sflag:$0x1] =	stream.linear.gather [hbm4b:s2+s3], $0x10000, $0x38;
	[tilespmem:$0x13000] =	vst v63  }
0x12: {  	_ =	swait.ge [sflag:s7], $0x10000  }
0x13: {  	[sflag:s7] =	ssyncset.done $0x0  }
0x14: {  	s13 =	simm.s32 $0x0;
	[sflag:s7] =	ssyncadd.s32 $0xFFFF0000  }
.LBB2_2:
0x15: {  	s14 =	sshll.u32 s13, $0xB;
	s16 =	simm.s32 $0x0  }
.LBB2_3:
0x16: {  	s17 =	sshll.u32 s16, $0x7  }
0x17: {  	s19 =	sshll.u32 s16, $0x4;
	s20 =	sadd.s32 s14, s17  }
0x18: {  	s18 =	sand.u32 $0x70, s19;
	s21 =	sand.u32 $0x7C00, s20  }
0x19: {  	s21 =	sor.u32 s18, s21  }
0x1a: {  	v0 =	vld [tilespmem:s21+$0x1080];
	_ =	sdelay $0x1  }
0x1b: {  	v1 =	vld [tilespmem:s21+$0x1100]  }
0x1c: {  	v11 =	vld [tilespmem:s21+$0x1000];
	_ =	sdelay $0x1  }
0x1d: {  	v2 =	vadd.s32 $0x8, v0;
	v0 =	vld [tilespmem:s21+$0x1180];
	_ =	sdelay $0x1  }
0x1e: {  	v4 =	vld [tilespmem:s21+$0x1200];
	v3 =	vadd.s32 s15, v2  }
0x1f: {  	v1 =	vadd.s32 $0x10, v1  }
0x20: {  	v5 =	vld [tilespmem:s21+$0x1280];
	v6 =	vadd.s32 s15, v1  }
0x21: {  	v7 =	vld [tilespmem:s21+$0x1300];
	v0 =	vadd.s32 $0x18, v0  }
0x22: {  	s19 =	sor.u32 s20, s19;
	v10 =	vld.idx.msk [tilespmem:v11+s3+$0x0], $0xffff;
	v9 =	vadd.s32 s15, v0  }
0x23: {  	s19 =	sor.u32 $0x380, s19;
	v8 =	vld.idx.msk [tilespmem:v3+s3+$0x0], $0xffff;
	v3 =	vadd.s32 $0x20, v4  }
0x24: {  	v12 =	vld [tilespmem:s19+$0x1000];
	v13 =	vadd.s32 s15, v3  }
0x25: {  	v4 =	vadd.s32 $0x28, v5;
	v14 =	vld.idx.msk [tilespmem:v6+s3+$0x0], $0xffff  }
0x26: {  	v15 =	vld [tilespmem:s21+$0x9000];
	v16 =	vadd.s32 s15, v4  }
0x27: {  	v5 =	vadd.s32 $0x30, v7;
	v9 =	vld.idx.msk [tilespmem:v9+s3+$0x0], $0xffff  }
0x28: {  	v17 =	vld [tilespmem:s21+$0x9080];
	v18 =	vadd.s32 s15, v5;
	v7 =	vmul.f32 v8, v10  }
0x29: {  	v6 =	vadd.s32 $0x38, v12;
	v10 =	vld.idx.msk [tilespmem:v13+s3+$0x0], $0xffff  }
0x2a: {  	v12 =	vld [tilespmem:s21+$0x9100];
	v13 =	vadd.s32 s15, v6;
	v8 =	vmul.f32 v14, v7  }
0x2b: {  	v7 =	vadd.s32 $0x40, v15;
	v14 =	vld.idx.msk [tilespmem:v16+s3+$0x0], $0xffff  }
0x2c: {  	v15 =	vld [tilespmem:s21+$0x9180];
	v16 =	vadd.s32 s15, v7;
	v9 =	vmul.f32 v9, v8  }
0x2d: {  	v8 =	vadd.s32 $0x48, v17;
	v17 =	vld.idx.msk [tilespmem:v18+s3+$0x0], $0xffff  }
0x2e: {  	v18 =	vld [tilespmem:s21+$0x9200];
	v19 =	vadd.s32 s15, v8;
	v10 =	vmul.f32 v10, v9  }
0x2f: {  	v13 =	vld.idx.msk [tilespmem:v13+s3+$0x0], $0xffff;
	v9 =	vadd.s32 $0x50, v12  }
0x30: {  	v20 =	vld [tilespmem:s21+$0x9280];
	v21 =	vadd.s32 s15, v9;
	v12 =	vmul.f32 v14, v10  }
0x31: {  	v10 =	vadd.s32 $0x58, v15;
	v14 =	vld.idx.msk [tilespmem:v16+s3+$0x0], $0xffff  }
0x32: {  	v15 =	vld [tilespmem:s21+$0x9300];
	v16 =	vadd.s32 s15, v10;
	v17 =	vmul.f32 v17, v12  }
0x33: {  	v12 =	vadd.s32 $0x60, v18;
	v18 =	vld.idx.msk [tilespmem:v19+s3+$0x0], $0xffff  }
0x34: {  	v17 =	vmul.f32 v13, v17  }
0x35: {  	v19 =	vadd.s32 s15, v12;
	v13 =	vadd.s32 $0x68, v20;
	v20 =	vld.idx.msk [tilespmem:v21+s3+$0x0], $0xffff  }
0x36: {  	v21 =	vld [tilespmem:s21+$0x9380];
	v17 =	vmul.f32 v14, v17  }
0x37: {  	v22 =	vadd.s32 s15, v13;
	v16 =	vld.idx.msk [tilespmem:v16+s3+$0x0], $0xffff  }
0x38: {  	v14 =	vadd.s32 $0x70, v15;
	v15 =	vmul.f32 v18, v17;
	_ =	sdelay $0x1  }
0x39: {  	v23 =	vadd.s32 s15, v14;
	v17 =	vld.idx.msk [tilespmem:v19+s3+$0x0], $0xffff;
	v18 =	vmul.f32 v20, v15  }
0x3a: {  	v15 =	vadd.s32 $0x78, v21  }
0x3b: {  	v19 =	vld.idx.msk [tilespmem:v22+s3+$0x0], $0xffff;
	v16 =	vmul.f32 v16, v18;
	v18 =	vadd.s32 s15, v15;
	_ =	sdelay $0x2  }
0x3c: {  	v20 =	vld.idx.msk [tilespmem:v23+s3+$0x0], $0xffff;
	v16 =	vmul.f32 v17, v16;
	_ =	sdelay $0x1  }
0x3d: {  	v21 =	vmul.f32 v19, v16;
	v19 =	vld.idx.msk [tilespmem:v18+s3+$0x0], $0xffff;
	_ =	sdelay $0x1  }
0x3e: {  	s17 =	sand.u32 $0x400, s17;
	v16 =	vadd.s32 $0x80, v11;
	v11 =	vmov s18;
	s18 =	simm.s32 $0x80  }
0x3f: {  	s22 =	sand.u32 $0x1800, s15;
	s17 =	sor.u32 $0x11000, s17;
	v17 =	vadd.s32 s18, v2;
	v20 =	vmul.f32 v20, v21  }
0x40: {  	s20 =	simm.s32 $0x100;
	s19 =	simm.s32 $0x0;
	s21 =	simm.s32 $0x0;
	v18 =	vadd.s32 s15, v16  }
.LBB2_4:
0x41: {  	p0 =	sne.s32 s20, $0xF80;
	v19 =	vmul.f32 v19, v20;
	s21 =	sand.u32 $0x380, s21;
	s22 =	sadd.s32 s22, s17  }
0x42: {  	v20 =	vadd.s32 s18, v1;
	s22 =	sadd.s32 s21, s22;
	s21 =	smov.u32 s18;
	s18 =	smov.u32 s20  }
0x43: {  	[tilespmem:v11+s22+$0x0 ss:$0x1] =	vst.idx.msk $0xffff, v19  }
0x44: {  	v19 =	vadd.s32 s21, v0;
	v17 =	vld.idx.msk [tilespmem:v17+s3+$0x0], $0xffff  }
0x45: {  	v18 =	vld.idx.msk [tilespmem:v18+s3+$0x0], $0xffff  }
0x46: {  	v21 =	vadd.s32 s21, v3  }
0x47: {  	v20 =	vld.idx.msk [tilespmem:v20+s3+$0x0], $0xffff  }
0x48: {  	v22 =	vadd.s32 s21, v4  }
0x49: {  	v19 =	vld.idx.msk [tilespmem:v19+s3+$0x0], $0xffff  }
0x4a: {  	v23 =	vadd.s32 s21, v5  }
0x4b: {  	v17 =	vmul.f32 v17, v18;
	v18 =	vld.idx.msk [tilespmem:v21+s3+$0x0], $0xffff  }
0x4c: {  	v21 =	vadd.s32 s21, v6  }
0x4d: {  	v17 =	vmul.f32 v20, v17;
	v20 =	vld.idx.msk [tilespmem:v22+s3+$0x0], $0xffff  }
0x4e: {  	v22 =	vadd.s32 s21, v7  }
0x4f: {  	v17 =	vmul.f32 v19, v17;
	v19 =	vld.idx.msk [tilespmem:v23+s3+$0x0], $0xffff  }
0x50: {  	v23 =	vadd.s32 s21, v8  }
0x51: {  	v17 =	vmul.f32 v18, v17;
	v18 =	vld.idx.msk [tilespmem:v21+s3+$0x0], $0xffff  }
0x52: {  	v21 =	vadd.s32 s21, v9  }
0x53: {  	v17 =	vmul.f32 v20, v17;
	v20 =	vld.idx.msk [tilespmem:v22+s3+$0x0], $0xffff  }
0x54: {  	v22 =	vadd.s32 s21, v10  }
0x55: {  	v17 =	vmul.f32 v19, v17;
	v19 =	vld.idx.msk [tilespmem:v23+s3+$0x0], $0xffff  }
0x56: {  	v23 =	vadd.s32 s21, v12  }
0x57: {  	v17 =	vmul.f32 v18, v17;
	v18 =	vld.idx.msk [tilespmem:v21+s3+$0x0], $0xffff  }
0x58: {  	v21 =	vadd.s32 s21, v13  }
0x59: {  	v17 =	vmul.f32 v20, v17;
	v20 =	vld.idx.msk [tilespmem:v22+s3+$0x0], $0xffff  }
0x5a: {  	v22 =	vadd.s32 s21, v14  }
0x5b: {  	v17 =	vmul.f32 v19, v17;
	v19 =	vld.idx.msk [tilespmem:v23+s3+$0x0], $0xffff  }
0x5c: {  	v23 =	vadd.s32 s21, v15  }
0x5d: {  	v17 =	vmul.f32 v18, v17;
	v18 =	vld.idx.msk [tilespmem:v21+s3+$0x0], $0xffff;
	_ =	sdelay $0x1  }
0x5e: {  	v17 =	vmul.f32 v20, v17;
	v20 =	vld.idx.msk [tilespmem:v22+s3+$0x0], $0xffff;
	_ =	sdelay $0x1  }
0x5f: {  	v17 =	vmul.f32 v19, v17;
	v19 =	vld.idx.msk [tilespmem:v23+s3+$0x0], $0xffff  }
.Ltmp0:
0x60: {  	(pc) =	sbr.rel @p0 .LBB2_4-.Ltmp0, $3  }
0x61: {  	v18 =	vmul.f32 v18, v17;
	_ =	sdelay $0x1  }
0x62: {  	s19 =	sadd.s32 $0x100, s19;
	v17 =	vadd.s32 s20, v2;
	v20 =	vmul.f32 v20, v18  }
0x63: {  	s22 =	sand.u32 $0x1800, s19;
	s20 =	sadd.s32 $0x80, s20;
	v18 =	vadd.s32 s21, v16  }
0x64: {  	_ =	sdelay $0x1  }
0x65: {  	v2 =	vmul.f32 v19, v20;
	s20 =	sand.u32 $0x380, s21;
	s29 =	sadd.s32 s22, s17  }
0x66: {  	v1 =	vadd.s32 s18, v1;
	s20 =	sadd.s32 s20, s29  }
0x67: {  	[tilespmem:v11+s20+$0x0 ss:$0x1] =	vst.idx.msk $0xffff, v2  }
0x68: {  	v0 =	vadd.s32 s18, v0;
	v2 =	vld.idx.msk [tilespmem:v17+s3+$0x0], $0xffff  }
0x69: {  	v16 =	vld.idx.msk [tilespmem:v18+s3+$0x0], $0xffff  }
0x6a: {  	v3 =	vadd.s32 s18, v3  }
0x6b: {  	v1 =	vld.idx.msk [tilespmem:v1+s3+$0x0], $0xffff  }
0x6c: {  	v4 =	vadd.s32 s18, v4  }
0x6d: {  	v0 =	vld.idx.msk [tilespmem:v0+s3+$0x0], $0xffff  }
0x6e: {  	v5 =	vadd.s32 s18, v5;
	v2 =	vmul.f32 v2, v16  }
0x6f: {  	v3 =	vld.idx.msk [tilespmem:v3+s3+$0x0], $0xffff  }
0x70: {  	v6 =	vadd.s32 s18, v6;
	v1 =	vmul.f32 v1, v2  }
0x71: {  	v45 =	vld.idx.msk [tilespmem:v4+s3+$0x0], $0xffff  }
0x72: {  	v46 =	vadd.s32 s18, v7;
	v0 =	vmul.f32 v0, v1  }
0x73: {  	v47 =	vld.idx.msk [tilespmem:v5+s3+$0x0], $0xffff  }
0x74: {  	v48 =	vadd.s32 s18, v8;
	v0 =	vmul.f32 v3, v0  }
0x75: {  	v49 =	vld.idx.msk [tilespmem:v6+s3+$0x0], $0xffff  }
0x76: {  	v50 =	vadd.s32 s18, v9;
	v0 =	vmul.f32 v45, v0  }
0x77: {  	v51 =	vld.idx.msk [tilespmem:v46+s3+$0x0], $0xffff  }
0x78: {  	v52 =	vadd.s32 s18, v10;
	v0 =	vmul.f32 v47, v0  }
0x79: {  	v53 =	vld.idx.msk [tilespmem:v48+s3+$0x0], $0xffff  }
0x7a: {  	v54 =	vadd.s32 s18, v12;
	v0 =	vmul.f32 v49, v0  }
0x7b: {  	v55 =	vld.idx.msk [tilespmem:v50+s3+$0x0], $0xffff  }
0x7c: {  	v56 =	vadd.s32 s18, v13;
	v0 =	vmul.f32 v51, v0  }
0x7d: {  	v57 =	vld.idx.msk [tilespmem:v52+s3+$0x0], $0xffff  }
0x7e: {  	v58 =	vadd.s32 s18, v14;
	v0 =	vmul.f32 v53, v0  }
0x7f: {  	v59 =	vld.idx.msk [tilespmem:v54+s3+$0x0], $0xffff  }
0x80: {  	v60 =	vadd.s32 s18, v15;
	v0 =	vmul.f32 v55, v0  }
0x81: {  	v61 =	vld.idx.msk [tilespmem:v56+s3+$0x0], $0xffff  }
0x82: {  	v0 =	vmul.f32 v57, v0  }
0x83: {  	v62 =	vld.idx.msk [tilespmem:v58+s3+$0x0], $0xffff  }
0x84: {  	v0 =	vmul.f32 v59, v0  }
0x85: {  	v63 =	vld.idx.msk [tilespmem:v60+s3+$0x0], $0xffff  }
0x86: {  	s16 =	sadd.s32 $0x1, s16;
	v0 =	vmul.f32 v61, v0  }
0x87: {  	p0 =	sne.s32 s16, $0x10  }
.Ltmp1:
0x88: {  	s19 =	sadd.s32 $0x100, s19;
	v0 =	vmul.f32 v62, v0;
	(pc) =	sbr.rel @p0 .LBB2_3-.Ltmp1, $4  }
0x89: {  	s19 =	sand.u32 $0x1800, s19  }
0x8a: {  	s30 =	sand.u32 $0x380, s18;
	s31 =	sadd.s32 s19, s17;
	v0 =	vmul.f32 v63, v0  }
0x8b: {  	s17 =	sadd.s32 s30, s31  }
0x8c: {  	[tilespmem:v11+s17+$0x0 ss:$0x1] =	vst.idx.msk $0xffff, v0  }
0x8d: {  	s14 =	sshll.u32 s13, $0x8;
	s13 =	sadd.s32 $0x1, s13  }
0x8e: {  	p0 =	sne.s32 s13, $0x10  }
.Ltmp2:
0x8f: {  	s14 =	sadd.s32 s14, s5;
	(pc) =	sbr.rel @p0 .LBB2_2-.Ltmp2, $4  }
0x90: {  	[hbm4b:s14+s9] =	stream.strided.scatter [tilespmem:s11], [sflag:$0x1], $0x2000, s10, s9, $0x38;
	[tilespmem:$0x13000] =	vst v63  }
0x91: {  	_ =	swait.ge [sflag:s7], $0x2000  }
0x92: {  	[sflag:s7] =	ssyncset.done $0x0  }
0x93: {  	[sflag:s7] =	ssyncadd.s32 $0xFFFFE000  }
0x94: {  	s12 =	sadd.s32 $0x1, s12  }
0x95: {  	p0 =	sne.s32 s12, s6  }
.Ltmp3:
0x96: {  	_ = 	snop;
	(pc) =	sbr.rel @p0 .LBB2_1-.Ltmp3, $1  }
0x97: {  	_ =	sdelay $0x3  }
0x98: {  	_ =	sfence.sel $0x180000  }
0x99: {  	[bflag:$0x0] =	sbarrier.arrive $0xFFFF  }
0x9a: {  	p0 =	sne.s32 s1, $0x0;
	_ =	strace $0x90000047  }
0x9b: {  	s0 =	sadd.s32 @!p0 $0x100000, s0;
	[bflag:$0x2] =	sbarrier.arrive $0xFFFF  }
0x9c: {  	[sflag:s0] =	ssyncadd.tile.s32 @!p0 $0x1;
	_ =	shalt  }
.Lfunc_end2:
_tile_overlayer_lowered:
.L_overlay_start_2:
0x9d: {  	(tag) =	ssettag $0x2  }
0x9e: {  	s0 =	rddreg [dreg:$0x0];
	s2 =	stileid.u32  }
0x9f: {  	s1 =	rddreg [dreg:$0x1];
	p0 =	sne.s32 s2, $0x0  }
0xa0: {  	s3 =	rddreg [dreg:$0x2];
	[bflag:$0x3] =	sbarrier.arrive $0xFFFF;
	s2 =	simm.s32 @!p0 $0x1C01  }
0xa1: {  	[timem:s3], [sflag:s2] =	dma.local @!p0 [hbm:s0], s1  }
0xa2: {  	s0 =	simm.s32 @!p0 $0x1  }
0xa3: {  	_ =	swait.ge @!p0 [sflag:s0], s1  }
0xa4: {  	s1 =	ssub.s32 @!p0 $0x0, s1;
	[sflag:s0] =	ssyncset.done @!p0 $0x0  }
0xa5: {  	[sflag:s0] =	ssyncadd.s32 @!p0 s1  }
0xa6: {  	[bflag:$0x3] =	sbarrier.arrive $0xFFFF  }
0xa7: {  	_ =	shalt  }

</sc_bundles>
